<compile_context>
chip_gen: v7x
topology: tpu7x:2x2x1
jax: 0.10.2.dev20260603
libtpu: 0.0.44.dev20260713+nightly
codegen_flags: <defaults>
</compile_context>

<pallas_src>
import functools

import jax
import jax.numpy as jnp
from jax import lax
from jax.experimental import pallas as pl
from jax.experimental.pallas import tpu as pltpu
from jax.experimental.pallas import tpu_sc as plsc

_BATCH = 4096
_HIST = 50
_D = 256
_NC = 2
_NS = 16
_NW = _NC * _NS
_BPW = _BATCH // _NW
_NBUF = 3

_mesh = plsc.VectorSubcoreMesh(core_axis_name="c", subcore_axis_name="s")


@functools.partial(
    pl.kernel,
    mesh=_mesh,
    out_type=jax.ShapeDtypeStruct((_HIST, _BATCH, _D), jnp.float32),
    scratch_types=[
        pltpu.VMEM((_HIST, _BPW), jnp.int32),
        pltpu.VMEM((_NBUF, _BPW, _D), jnp.float32),
        pltpu.SemaphoreType.DMA,
        pltpu.SemaphoreType.DMA,
    ],
)
def _gather_all(idx_hbm, table_hbm, out_hbm, idx_v, rows_v, gsem, ssem):
    wid = lax.axis_index("s") * _NC + lax.axis_index("c")
    wb = wid * _BPW
    pltpu.sync_copy(idx_hbm.at[:, pl.ds(wb, _BPW)], idx_v)

    def gather_copy(h, b):
        return pltpu.make_async_copy(
            table_hbm.at[idx_v.at[h]], rows_v.at[b], gsem
        )

    def store_copy(h, b):
        return pltpu.make_async_copy(
            rows_v.at[b], out_hbm.at[h, pl.ds(wb, _BPW)], ssem
        )

    gather_copy(0, 0).start()
    gather_copy(1, 1).start()

    def body(h, carry):
        b = lax.rem(h, _NBUF)
        gather_copy(h, b).wait()

        @pl.when(h >= 1)
        def _():
            store_copy(h - 1, lax.rem(h + 2, _NBUF)).wait()

        @pl.when(h + 2 < _HIST)
        def _():
            gather_copy(h + 2, lax.rem(h + 2, _NBUF)).start()

        store_copy(h, b).start()
        return carry

    lax.fori_loop(0, _HIST, body, 0)
    store_copy(_HIST - 1, (_HIST - 1) % _NBUF).wait()


def kernel(indices, table):
    idx_t = indices.astype(jnp.int32).T
    mid = _gather_all(idx_t, table)
    return jnp.transpose(mid, (1, 0, 2))

# --- scband reference (transcript-rebuilt; emitter-appended) ---
"""Pipeline reference for scband-embedding-layer-63634235458008 (READ-ONLY COPY).

The authoritative reference and input builder live on the scoring server;
editing this copy changes nothing except your own understanding.
"""

import jax, jax.numpy as jnp
import numpy as np

NB_TOKEN = 1000000
EMBED_DIM = 256
BATCH = 4096
HIST_LEN = 50

def setup_inputs(seed: int = 0) -> dict:
    key = jax.random.key(seed)
    k_idx, k_tab = jax.random.split(key)
    indices = jax.random.randint(k_idx, (BATCH, HIST_LEN), 0, NB_TOKEN, dtype=jnp.int64 if jax.config.read('jax_enable_x64') else jnp.int32)
    # Keras Embedding default initializer is uniform(-0.05, 0.05)
    table = jax.random.uniform(k_tab, (NB_TOKEN, EMBED_DIM), dtype=jnp.float32, minval=-0.05, maxval=0.05)
    return {"indices": indices, "table": table}

def reference(indices, table):
    # EmbeddingLayer.call: embed = self.word_embedding(x)
    embed = jnp.take(table, indices, axis=0)
    return embed

if __name__ == "__main__":
    import jax
    _d = setup_inputs()
    print(jax.jit(kernel)(*tuple(_d.values())))

</pallas_src>

<mosaic_0001>
#map = affine_map<(d0, d1) -> (0, 0)>
#map1 = affine_map<(d0, d1) -> (0, 0, 0)>
module attributes {stable_mosaic.version = 14 : i64} {
  func.func @_gather_all(%arg0: i32, %arg1: i32, %arg2: memref<50x4096xi32, #tpu.memory_space<hbm>>, %arg3: memref<1000000x256xf32, #tpu.memory_space<hbm>>, %arg4: memref<50x4096x256xf32, #tpu.memory_space<hbm>>, %arg5: memref<50x128xi32, #tpu.memory_space<vmem>>, %arg6: memref<3x128x256xf32, #tpu.memory_space<vmem>>, %arg7: memref<!tpu.dma_semaphore, #tpu.memory_space<semaphore_mem>>, %arg8: memref<!tpu.dma_semaphore, #tpu.memory_space<semaphore_mem>>) attributes {dimension_semantics = [#tpu.dimension_semantics<core_parallel>, #tpu.dimension_semantics<subcore_parallel>], iteration_bounds = array<i64: 2, 16>, scalar_prefetch = 0 : i64, scratch_operands = 4 : i64, tpu.core_type = #tpu.core_type<sc_vector_subcore>, window_params = [{transform_indices = #map}, {transform_indices = #map}, {transform_indices = #map1}]} {
    %mul3A = arith.constant 2 : i32
    %mul3A_0 = arith.muli %arg1, %mul3A : i32
    %add3A = arith.addi %mul3A_0, %arg0 : i32
    %mul3A_1 = arith.constant 128 : i32
    %mul3A_2 = arith.muli %add3A, %mul3A_1 : i32
    "tpu.region"() ({
      %run_scoped3A = tpu.sem_alloc : memref<!tpu.dma_semaphore, #tpu.memory_space<semaphore_mem>>
      %dma_start3A_46 = arith.constant 0 : i32
      %dma_start3A_47 = tpu.memref_slice %arg2[%dma_start3A_46, %mul3A_2] : memref<50x4096xi32, #tpu.memory_space<hbm>> -> memref<50x128xi32, #tpu.memory_space<hbm>>
      %dma_start3A_48 = arith.constant 0 : i32
      %dma_start3A_49 = tpu.memref_slice %arg2[%dma_start3A_48, %mul3A_2] : memref<50x4096xi32, #tpu.memory_space<hbm>> -> memref<50x128xi32, #tpu.memory_space<hbm>>
      tpu.enqueue_dma source(%dma_start3A_49 : memref<50x128xi32, #tpu.memory_space<hbm>>) target(%arg5 : memref<50x128xi32, #tpu.memory_space<vmem>>) target_semaphore(%run_scoped3A : memref<!tpu.dma_semaphore, #tpu.memory_space<semaphore_mem>>)
      %dma_wait3A_50 = arith.constant 0 : i32
      %dma_wait3A_51 = tpu.memref_slice %arg2[%dma_wait3A_50, %mul3A_2] : memref<50x4096xi32, #tpu.memory_space<hbm>> -> memref<50x128xi32, #tpu.memory_space<hbm>>
      %dma_wait3A_52 = arith.constant 0 : i32
      %dma_wait3A_53 = tpu.memref_slice %arg2[%dma_wait3A_52, %mul3A_2] : memref<50x4096xi32, #tpu.memory_space<hbm>> -> memref<50x128xi32, #tpu.memory_space<hbm>>
      tpu.wait_dma2 semaphore(%run_scoped3A : memref<!tpu.dma_semaphore, #tpu.memory_space<semaphore_mem>>) src(%dma_wait3A_53 : memref<50x128xi32, #tpu.memory_space<hbm>>) dst(%arg5 : memref<50x128xi32, #tpu.memory_space<vmem>>)
      tpu.yield
    }) : () -> ()
    %dma_start3A = arith.constant 0 : i32
    %dma_start3A_3 = arith.constant 0 : i32
    %dma_start3A_4 = arith.constant 0 : i32
    %dma_start3A_5 = arith.constant 0 : i32
    %dma_start3A_6 = tpu.memref_slice %arg6[%dma_start3A_3, %dma_start3A_4, %dma_start3A_5] : memref<3x128x256xf32, #tpu.memory_space<vmem>> -> memref<1x128x256xf32, #tpu.memory_space<vmem>>
    %dma_start3A_7 = tpu.memref_squeeze %dma_start3A_6 : memref<1x128x256xf32, #tpu.memory_space<vmem>> -> memref<128x256xf32, #tpu.memory_space<vmem>>
    %dma_start3A_8 = arith.constant 0 : i32
    %dma_start3A_9 = tpu.memref_slice %arg5[%dma_start3A, %dma_start3A_8] : memref<50x128xi32, #tpu.memory_space<vmem>> -> memref<1x128xi32, #tpu.memory_space<vmem>>
    %dma_start3A_10 = tpu.memref_squeeze %dma_start3A_9 : memref<1x128xi32, #tpu.memory_space<vmem>> -> memref<128xi32, #tpu.memory_space<vmem>>
    %dma_start3A_11 = arith.constant 0 : i32
    %dma_start3A_12 = arith.constant 0 : i32
    %dma_start3A_13 = tpu.memref_slice %arg3[%dma_start3A_11, %dma_start3A_12] : memref<1000000x256xf32, #tpu.memory_space<hbm>> -> memref<1000000x256xf32, #tpu.memory_space<hbm>>
    tpu.enqueue_indirect_dma source(%dma_start3A_13 : memref<1000000x256xf32, #tpu.memory_space<hbm>>) target(%dma_start3A_7 : memref<128x256xf32, #tpu.memory_space<vmem>>) offsets(%dma_start3A_10 : memref<128xi32, #tpu.memory_space<vmem>>) semaphore(%arg7 : memref<!tpu.dma_semaphore, #tpu.memory_space<semaphore_mem>>)
    %dma_start3A_14 = arith.constant 1 : i32
    %dma_start3A_15 = arith.constant 1 : i32
    %dma_start3A_16 = arith.constant 0 : i32
    %dma_start3A_17 = arith.constant 0 : i32
    %dma_start3A_18 = tpu.memref_slice %arg6[%dma_start3A_15, %dma_start3A_16, %dma_start3A_17] : memref<3x128x256xf32, #tpu.memory_space<vmem>> -> memref<1x128x256xf32, #tpu.memory_space<vmem>>
    %dma_start3A_19 = tpu.memref_squeeze %dma_start3A_18 : memref<1x128x256xf32, #tpu.memory_space<vmem>> -> memref<128x256xf32, #tpu.memory_space<vmem>>
    %dma_start3A_20 = arith.constant 0 : i32
    %dma_start3A_21 = tpu.memref_slice %arg5[%dma_start3A_14, %dma_start3A_20] : memref<50x128xi32, #tpu.memory_space<vmem>> -> memref<1x128xi32, #tpu.memory_space<vmem>>
    %dma_start3A_22 = tpu.memref_squeeze %dma_start3A_21 : memref<1x128xi32, #tpu.memory_space<vmem>> -> memref<128xi32, #tpu.memory_space<vmem>>
    %dma_start3A_23 = arith.constant 0 : i32
    %dma_start3A_24 = arith.constant 0 : i32
    %dma_start3A_25 = tpu.memref_slice %arg3[%dma_start3A_23, %dma_start3A_24] : memref<1000000x256xf32, #tpu.memory_space<hbm>> -> memref<1000000x256xf32, #tpu.memory_space<hbm>>
    tpu.enqueue_indirect_dma source(%dma_start3A_25 : memref<1000000x256xf32, #tpu.memory_space<hbm>>) target(%dma_start3A_19 : memref<128x256xf32, #tpu.memory_space<vmem>>) offsets(%dma_start3A_22 : memref<128xi32, #tpu.memory_space<vmem>>) semaphore(%arg7 : memref<!tpu.dma_semaphore, #tpu.memory_space<semaphore_mem>>)
    %scan3A = arith.constant 0 : i32
    %scan3A_26 = arith.constant 0 : i32
    %scan3A_27 = arith.constant 50 : i32
    %scan3A_28 = arith.addi %scan3A_26, %scan3A_27 : i32
    %scan3A_29 = arith.constant 1 : i32
    scf.for %scan3A_46 = %scan3A_26 to %scan3A_28 step %scan3A_29  : i32 {
      %rem3A = arith.constant 3 : i32
      %rem3A_47 = arith.remsi %scan3A_46, %rem3A : i32
      %dma_wait3A_48 = arith.constant 0 : i32
      %dma_wait3A_49 = arith.constant 0 : i32
      %dma_wait3A_50 = tpu.memref_slice %arg6[%rem3A_47, %dma_wait3A_48, %dma_wait3A_49] : memref<3x128x256xf32, #tpu.memory_space<vmem>> -> memref<1x128x256xf32, #tpu.memory_space<vmem>>
      %dma_wait3A_51 = tpu.memref_squeeze %dma_wait3A_50 : memref<1x128x256xf32, #tpu.memory_space<vmem>> -> memref<128x256xf32, #tpu.memory_space<vmem>>
      %dma_wait3A_52 = arith.constant 0 : i32
      %dma_wait3A_53 = tpu.memref_slice %arg5[%scan3A_46, %dma_wait3A_52] : memref<50x128xi32, #tpu.memory_space<vmem>> -> memref<1x128xi32, #tpu.memory_space<vmem>>
      %dma_wait3A_54 = tpu.memref_squeeze %dma_wait3A_53 : memref<1x128xi32, #tpu.memory_space<vmem>> -> memref<128xi32, #tpu.memory_space<vmem>>
      %dma_wait3A_55 = arith.constant 0 : i32
      %dma_wait3A_56 = arith.constant 0 : i32
      %dma_wait3A_57 = tpu.memref_slice %arg3[%dma_wait3A_55, %dma_wait3A_56] : memref<1000000x256xf32, #tpu.memory_space<hbm>> -> memref<1000000x256xf32, #tpu.memory_space<hbm>>
      tpu.wait_indirect_dma semaphore(%arg7 : memref<!tpu.dma_semaphore, #tpu.memory_space<semaphore_mem>>) src(%dma_wait3A_57 : memref<1000000x256xf32, #tpu.memory_space<hbm>>) dst(%dma_wait3A_51 : memref<128x256xf32, #tpu.memory_space<vmem>>)
      %ge3A = arith.constant 1 : i32
      %ge3A_58 = arith.cmpi sge, %scan3A_46, %ge3A : i32
      %convert_element_type3A = arith.extui %ge3A_58 : i1 to i32
      %cond3A = arith.constant 0 : i32
      %cond3A_59 = arith.cmpi ne, %convert_element_type3A, %cond3A : i32
      scf.if %cond3A_59 {
        %sub3A = arith.constant 1 : i32
        %sub3A_80 = arith.subi %scan3A_46, %sub3A : i32
        %add3A_81 = arith.constant 2 : i32
        %add3A_82 = arith.addi %scan3A_46, %add3A_81 : i32
        %rem3A_83 = arith.constant 3 : i32
        %rem3A_84 = arith.remsi %add3A_82, %rem3A_83 : i32
        %dma_wait3A_85 = arith.constant 0 : i32
        %dma_wait3A_86 = arith.constant 0 : i32
        %dma_wait3A_87 = tpu.memref_slice %arg6[%rem3A_84, %dma_wait3A_85, %dma_wait3A_86] : memref<3x128x256xf32, #tpu.memory_space<vmem>> -> memref<1x128x256xf32, #tpu.memory_space<vmem>>
        %dma_wait3A_88 = tpu.memref_squeeze %dma_wait3A_87 : memref<1x128x256xf32, #tpu.memory_space<vmem>> -> memref<128x256xf32, #tpu.memory_space<vmem>>
        %dma_wait3A_89 = arith.constant 0 : i32
        %dma_wait3A_90 = tpu.memref_slice %arg4[%sub3A_80, %mul3A_2, %dma_wait3A_89] : memref<50x4096x256xf32, #tpu.memory_space<hbm>> -> memref<1x128x256xf32, #tpu.memory_space<hbm>>
        %dma_wait3A_91 = tpu.memref_squeeze %dma_wait3A_90 : memref<1x128x256xf32, #tpu.memory_space<hbm>> -> memref<128x256xf32, #tpu.memory_space<hbm>>
        %dma_wait3A_92 = arith.constant 0 : i32
        %dma_wait3A_93 = tpu.memref_slice %arg4[%sub3A_80, %mul3A_2, %dma_wait3A_92] : memref<50x4096x256xf32, #tpu.memory_space<hbm>> -> memref<1x128x256xf32, #tpu.memory_space<hbm>>
        %dma_wait3A_94 = tpu.memref_squeeze %dma_wait3A_93 : memref<1x128x256xf32, #tpu.memory_space<hbm>> -> memref<128x256xf32, #tpu.memory_space<hbm>>
        %dma_wait3A_95 = arith.constant 0 : i32
        %dma_wait3A_96 = arith.constant 0 : i32
        %dma_wait3A_97 = tpu.memref_slice %arg6[%rem3A_84, %dma_wait3A_95, %dma_wait3A_96] : memref<3x128x256xf32, #tpu.memory_space<vmem>> -> memref<1x128x256xf32, #tpu.memory_space<vmem>>
        %dma_wait3A_98 = tpu.memref_squeeze %dma_wait3A_97 : memref<1x128x256xf32, #tpu.memory_space<vmem>> -> memref<128x256xf32, #tpu.memory_space<vmem>>
        tpu.wait_dma2 semaphore(%arg8 : memref<!tpu.dma_semaphore, #tpu.memory_space<semaphore_mem>>) src(%dma_wait3A_98 : memref<128x256xf32, #tpu.memory_space<vmem>>) dst(%dma_wait3A_94 : memref<128x256xf32, #tpu.memory_space<hbm>>)
      } else {
      }
      %add3A_60 = arith.constant 2 : i32
      %add3A_61 = arith.addi %scan3A_46, %add3A_60 : i32
      %lt3A = arith.constant 50 : i32
      %lt3A_62 = arith.cmpi slt, %add3A_61, %lt3A : i32
      %convert_element_type3A_63 = arith.extui %lt3A_62 : i1 to i32
      %cond3A_64 = arith.constant 0 : i32
      %cond3A_65 = arith.cmpi ne, %convert_element_type3A_63, %cond3A_64 : i32
      scf.if %cond3A_65 {
        %add3A_80 = arith.constant 2 : i32
        %add3A_81 = arith.addi %scan3A_46, %add3A_80 : i32
        %add3A_82 = arith.constant 2 : i32
        %add3A_83 = arith.addi %scan3A_46, %add3A_82 : i32
        %rem3A_84 = arith.constant 3 : i32
        %rem3A_85 = arith.remsi %add3A_83, %rem3A_84 : i32
        %dma_start3A_86 = arith.constant 0 : i32
        %dma_start3A_87 = arith.constant 0 : i32
        %dma_start3A_88 = tpu.memref_slice %arg6[%rem3A_85, %dma_start3A_86, %dma_start3A_87] : memref<3x128x256xf32, #tpu.memory_space<vmem>> -> memref<1x128x256xf32, #tpu.memory_space<vmem>>
        %dma_start3A_89 = tpu.memref_squeeze %dma_start3A_88 : memref<1x128x256xf32, #tpu.memory_space<vmem>> -> memref<128x256xf32, #tpu.memory_space<vmem>>
        %dma_start3A_90 = arith.constant 0 : i32
        %dma_start3A_91 = tpu.memref_slice %arg5[%add3A_81, %dma_start3A_90] : memref<50x128xi32, #tpu.memory_space<vmem>> -> memref<1x128xi32, #tpu.memory_space<vmem>>
        %dma_start3A_92 = tpu.memref_squeeze %dma_start3A_91 : memref<1x128xi32, #tpu.memory_space<vmem>> -> memref<128xi32, #tpu.memory_space<vmem>>
        %dma_start3A_93 = arith.constant 0 : i32
        %dma_start3A_94 = arith.constant 0 : i32
        %dma_start3A_95 = tpu.memref_slice %arg3[%dma_start3A_93, %dma_start3A_94] : memref<1000000x256xf32, #tpu.memory_space<hbm>> -> memref<1000000x256xf32, #tpu.memory_space<hbm>>
        tpu.enqueue_indirect_dma source(%dma_start3A_95 : memref<1000000x256xf32, #tpu.memory_space<hbm>>) target(%dma_start3A_89 : memref<128x256xf32, #tpu.memory_space<vmem>>) offsets(%dma_start3A_92 : memref<128xi32, #tpu.memory_space<vmem>>) semaphore(%arg7 : memref<!tpu.dma_semaphore, #tpu.memory_space<semaphore_mem>>)
      } else {
      }
      %dma_start3A_66 = arith.constant 0 : i32
      %dma_start3A_67 = arith.constant 0 : i32
      %dma_start3A_68 = tpu.memref_slice %arg6[%rem3A_47, %dma_start3A_66, %dma_start3A_67] : memref<3x128x256xf32, #tpu.memory_space<vmem>> -> memref<1x128x256xf32, #tpu.memory_space<vmem>>
      %dma_start3A_69 = tpu.memref_squeeze %dma_start3A_68 : memref<1x128x256xf32, #tpu.memory_space<vmem>> -> memref<128x256xf32, #tpu.memory_space<vmem>>
      %dma_start3A_70 = arith.constant 0 : i32
      %dma_start3A_71 = tpu.memref_slice %arg4[%scan3A_46, %mul3A_2, %dma_start3A_70] : memref<50x4096x256xf32, #tpu.memory_space<hbm>> -> memref<1x128x256xf32, #tpu.memory_space<hbm>>
      %dma_start3A_72 = tpu.memref_squeeze %dma_start3A_71 : memref<1x128x256xf32, #tpu.memory_space<hbm>> -> memref<128x256xf32, #tpu.memory_space<hbm>>
      %dma_start3A_73 = arith.constant 0 : i32
      %dma_start3A_74 = tpu.memref_slice %arg4[%scan3A_46, %mul3A_2, %dma_start3A_73] : memref<50x4096x256xf32, #tpu.memory_space<hbm>> -> memref<1x128x256xf32, #tpu.memory_space<hbm>>
      %dma_start3A_75 = tpu.memref_squeeze %dma_start3A_74 : memref<1x128x256xf32, #tpu.memory_space<hbm>> -> memref<128x256xf32, #tpu.memory_space<hbm>>
      %dma_start3A_76 = arith.constant 0 : i32
      %dma_start3A_77 = arith.constant 0 : i32
      %dma_start3A_78 = tpu.memref_slice %arg6[%rem3A_47, %dma_start3A_76, %dma_start3A_77] : memref<3x128x256xf32, #tpu.memory_space<vmem>> -> memref<1x128x256xf32, #tpu.memory_space<vmem>>
      %dma_start3A_79 = tpu.memref_squeeze %dma_start3A_78 : memref<1x128x256xf32, #tpu.memory_space<vmem>> -> memref<128x256xf32, #tpu.memory_space<vmem>>
      tpu.enqueue_dma source(%dma_start3A_79 : memref<128x256xf32, #tpu.memory_space<vmem>>) target(%dma_start3A_75 : memref<128x256xf32, #tpu.memory_space<hbm>>) target_semaphore(%arg8 : memref<!tpu.dma_semaphore, #tpu.memory_space<semaphore_mem>>)
    }
    %scan3A_30 = arith.constant 50 : i32
    %dma_wait3A = arith.constant 1 : i32
    %dma_wait3A_31 = arith.constant 49 : i32
    %dma_wait3A_32 = arith.constant 0 : i32
    %dma_wait3A_33 = arith.constant 0 : i32
    %dma_wait3A_34 = tpu.memref_slice %arg6[%dma_wait3A, %dma_wait3A_32, %dma_wait3A_33] : memref<3x128x256xf32, #tpu.memory_space<vmem>> -> memref<1x128x256xf32, #tpu.memory_space<vmem>>
    %dma_wait3A_35 = tpu.memref_squeeze %dma_wait3A_34 : memref<1x128x256xf32, #tpu.memory_space<vmem>> -> memref<128x256xf32, #tpu.memory_space<vmem>>
    %dma_wait3A_36 = arith.constant 0 : i32
    %dma_wait3A_37 = tpu.memref_slice %arg4[%dma_wait3A_31, %mul3A_2, %dma_wait3A_36] : memref<50x4096x256xf32, #tpu.memory_space<hbm>> -> memref<1x128x256xf32, #tpu.memory_space<hbm>>
    %dma_wait3A_38 = tpu.memref_squeeze %dma_wait3A_37 : memref<1x128x256xf32, #tpu.memory_space<hbm>> -> memref<128x256xf32, #tpu.memory_space<hbm>>
    %dma_wait3A_39 = arith.constant 0 : i32
    %dma_wait3A_40 = tpu.memref_slice %arg4[%dma_wait3A_31, %mul3A_2, %dma_wait3A_39] : memref<50x4096x256xf32, #tpu.memory_space<hbm>> -> memref<1x128x256xf32, #tpu.memory_space<hbm>>
    %dma_wait3A_41 = tpu.memref_squeeze %dma_wait3A_40 : memref<1x128x256xf32, #tpu.memory_space<hbm>> -> memref<128x256xf32, #tpu.memory_space<hbm>>
    %dma_wait3A_42 = arith.constant 0 : i32
    %dma_wait3A_43 = arith.constant 0 : i32
    %dma_wait3A_44 = tpu.memref_slice %arg6[%dma_wait3A, %dma_wait3A_42, %dma_wait3A_43] : memref<3x128x256xf32, #tpu.memory_space<vmem>> -> memref<1x128x256xf32, #tpu.memory_space<vmem>>
    %dma_wait3A_45 = tpu.memref_squeeze %dma_wait3A_44 : memref<1x128x256xf32, #tpu.memory_space<vmem>> -> memref<128x256xf32, #tpu.memory_space<vmem>>
    tpu.wait_dma2 semaphore(%arg8 : memref<!tpu.dma_semaphore, #tpu.memory_space<semaphore_mem>>) src(%dma_wait3A_45 : memref<128x256xf32, #tpu.memory_space<vmem>>) dst(%dma_wait3A_41 : memref<128x256xf32, #tpu.memory_space<hbm>>)
    return
  }
}

</mosaic_0001>

<sc_bundles>
// kernel: kernel.3.cloned.1.call-start
scs
__scs_entry_jumppad:
0x0: {  	(pc) =	sbr.rel $0x88, $3  }
0x1: {  	(tag) =	ssettag $0x0;
	lr =	simm.s32 $0x1  }
0x2: {  	[smem:$0x3F9F] =	sst lr;
	_ =	strace $0xD0000000  }
0x3: {  	_ = 	snop  }
0x4: {  	_ = 	snop  }
0x5: {  	_ = 	snop  }
0x6: {  	_ = 	snop  }
0x7: {  	_ = 	snop  }
__scs_overlays_trampoline_lowered:
0x8: {  	[smem:$0x3FAE] =	sst s0  }
0x9: {  	[smem:$0x3FAF] =	sst s1  }
0xa: {  	[smem:$0x3FB0] =	sst s2  }
0xb: {  	[smem:$0x3FB1] =	sst s3  }
0xc: {  	[smem:$0x3FB2] =	sst s4  }
0xd: {  	[smem:$0x3FB3] =	sst s5  }
0xe: {  	[smem:$0x3FB4] =	sst s6  }
0xf: {  	[smem:$0x3FB5] =	sst s7  }
0x10: {  	[smem:$0x3FB6] =	sst s8  }
0x11: {  	[smem:$0x3FB7] =	sst s9;
	s0 =	simm.s32 @!p0 $0x0  }
0x12: {  	s1 =	sld [smem:$0x3F9D];
	s0 =	simm.s32 @p0 $0x1  }
0x13: {  	[smem:$0x3FB8] =	sst s0;
	s0 =	simm.s32 @!p1 $0x0  }
0x14: {  	s2 =	sld [smem:$0x3F9C];
	s0 =	simm.s32 @p1 $0x1  }
0x15: {  	[smem:$0x3FB9] =	sst s0;
	s0 =	simm.s32 @!p2 $0x0  }
0x16: {  	s3 =	sld [smem:$0x3FDB];
	s0 =	simm.s32 @p2 $0x1  }
0x17: {  	s4 =	simm.s32 $0x1BF5;
	[smem:$0x3FBB] =	sst s0  }
0x18: {  	s0 =	sld [smem:$0x3F9E];
	_ =	swait.ge [sflag:s4], $0x0  }
0x19: {  	s7 =	sld [smem:$0x3F9F]  }
0x1a: {  	s8 =	sadd.s32 $0xFFFFE003, lr  }
0x1b: {  	s9 =	sadd.s32 $0xFFFFFEF7, lr;
	s5 =	simm.s32 $0xFFFFFFFF;
	p2 =	slt.u32 s8, $0xFFFFF086  }
0x1c: {  	p1 =	slt.u32 s9, $0xF7A;
	s5 =	simm.s32 @!p2 $0x0  }
0x1d: {  	s5 =	simm.s32 @p1 $0x1;
	p0 =	seq.s32 s7, s2  }
0x1e: {  	s7 =	smul.u32 @!p0 $0xF7A, s2;
	p2 =	seq.s32 @!p0 s5, $0x0  }
0x1f: {  	s9 =	smul.u32 $0xF7A, s1;
	s8 =	simm.s32 @!p0 $0x1BF5;
	p2 =	por !p2, p0  }
0x20: {  	[sflag:s8] =	ssyncset.s32 @!p0 $0xFFFFF086;
	s6 =	sadd.s32 @!p0 s3, s7;
	s7 =	simm.s32 @!p0 $0x108  }
0x21: {  	s3 =	sadd.s32 s3, s9;
	s6 =	sadd.s32 @!p0 $0x88, s6;
	s7 =	simm.s32 @p2 $0x1082  }
0x22: {  	[simem:s7], [sflag:s8] =	dma.local @!p0 [hbm:s6], $0xF7A  }
0x23: {  	s9 =	sor.u32 $0xD0000000, s2;
	s6 =	simm.s32 $0x108;
	_ =	swait.ge @!p0 [sflag:s8], $0x0  }
0x24: {  	s3 =	sadd.s32 $0x88, s3;
	s6 =	simm.s32 @!p1 $0x1082;
	[sflag:s4] =	ssyncset.s32 $0xFFFFF086  }
0x25: {  	[simem:s6], [sflag:s4] =	dma.local [hbm:s3], $0xF7A  }
0x26: {  	[smem:$0x3F9F] =	sst s1;
	(tag) =	ssettag s2;
	_ =	strace s9  }
0x27: {  	s1 =	sld [smem:$0x3FAF]  }
0x28: {  	s2 =	sld [smem:$0x3FB0]  }
0x29: {  	s4 =	sld [smem:$0x3FB2]  }
0x2a: {  	p0 =	seq.s32 s5, $0x0;
	s5 =	sld [smem:$0x3FB3]  }
0x2b: {  	s6 =	sld [smem:$0x3FB4]  }
0x2c: {  	s7 =	sld [smem:$0x3FB5]  }
0x2d: {  	s3 =	simm.s32 $0x108;
	s8 =	sld [smem:$0x3FB6]  }
0x2e: {  	s3 =	simm.s32 @!p0 $0x1082;
	s9 =	sld [smem:$0x3FB7]  }
0x2f: {  	lr =	sadd.s32 s0, s3;
	s0 =	sld [smem:$0x3FAE]  }
0x30: {  	s3 =	sld [smem:$0x3FB1]  }
0x31: {  	[smem:$0x3FBA] =	sst s10  }
0x32: {  	s10 =	sld [smem:$0x3FB8];
	_ =	sdelay $0x3  }
0x33: {  	p0 =	seq.s32 s10, $0x1;
	s10 =	sld [smem:$0x3FBA];
	_ =	sdelay $0x3  }
0x34: {  	[smem:$0x3FBA] =	sst s10  }
0x35: {  	s10 =	sld [smem:$0x3FB9];
	_ =	sdelay $0x3  }
0x36: {  	p1 =	seq.s32 s10, $0x1;
	s10 =	sld [smem:$0x3FBA];
	_ =	sdelay $0x3  }
0x37: {  	[smem:$0x3FBA] =	sst s10  }
0x38: {  	s10 =	sld [smem:$0x3FBB]  }
0x39: {  	_ = 	snop;
	(pc) =	sbr.ind lr, $3  }
0x3a: {  	_ = 	snop  }
0x3b: {  	_ = 	snop  }
0x3c: {  	p2 =	seq.s32 s10, $0x1;
	s10 =	sld [smem:$0x3FBA]  }
0x3d: {  	_ =	shalt  }
0x3e: {  	_ =	shalt  }
0x3f: {  	_ =	shalt  }
0x40: {  	_ =	shalt  }
0x41: {  	_ =	shalt  }
0x42: {  	_ =	shalt  }
0x43: {  	_ =	shalt  }
0x44: {  	_ =	shalt  }
0x45: {  	_ =	shalt  }
0x46: {  	_ =	shalt  }
0x47: {  	_ =	shalt  }
0x48: {  	_ =	shalt  }
0x49: {  	_ =	shalt  }
0x4a: {  	_ =	shalt  }
0x4b: {  	_ =	shalt  }
0x4c: {  	_ =	shalt  }
0x4d: {  	_ =	shalt  }
0x4e: {  	_ =	shalt  }
0x4f: {  	_ =	shalt  }
0x50: {  	_ =	shalt  }
0x51: {  	_ =	shalt  }
0x52: {  	_ =	shalt  }
0x53: {  	_ =	shalt  }
0x54: {  	_ =	shalt  }
0x55: {  	_ =	shalt  }
0x56: {  	_ =	shalt  }
0x57: {  	_ =	shalt  }
0x58: {  	_ =	shalt  }
0x59: {  	_ =	shalt  }
0x5a: {  	_ =	shalt  }
0x5b: {  	_ =	shalt  }
0x5c: {  	_ =	shalt  }
0x5d: {  	_ =	shalt  }
0x5e: {  	_ =	shalt  }
0x5f: {  	_ =	shalt  }
0x60: {  	_ =	shalt  }
0x61: {  	_ =	shalt  }
0x62: {  	_ =	shalt  }
0x63: {  	_ =	shalt  }
0x64: {  	_ =	shalt  }
0x65: {  	_ =	shalt  }
0x66: {  	_ =	shalt  }
0x67: {  	_ =	shalt  }
0x68: {  	_ =	shalt  }
0x69: {  	_ =	shalt  }
0x6a: {  	_ =	shalt  }
0x6b: {  	_ =	shalt  }
0x6c: {  	_ =	shalt  }
0x6d: {  	_ =	shalt  }
0x6e: {  	_ =	shalt  }
0x6f: {  	_ =	shalt  }
0x70: {  	_ =	shalt  }
0x71: {  	_ =	shalt  }
0x72: {  	_ =	shalt  }
0x73: {  	_ =	shalt  }
0x74: {  	_ =	shalt  }
0x75: {  	_ =	shalt  }
0x76: {  	_ =	shalt  }
0x77: {  	_ =	shalt  }
0x78: {  	_ =	shalt  }
0x79: {  	_ =	shalt  }
0x7a: {  	_ =	shalt  }
0x7b: {  	_ =	shalt  }
0x7c: {  	_ =	shalt  }
0x7d: {  	_ =	shalt  }
0x7e: {  	_ =	shalt  }
0x7f: {  	_ =	shalt  }
0x80: {  	_ =	shalt  }
0x81: {  	_ =	shalt  }
0x82: {  	_ =	shalt  }
0x83: {  	_ =	shalt  }
0x84: {  	_ =	shalt  }
0x85: {  	_ =	shalt  }
0x86: {  	_ =	shalt  }
0x87: {  	_ =	shalt  }
.Lfunc_end0:
.L_simem_size_0:
called_computation_lowered:
.L_overlay_start_0:
0x88: {  	s2 =	sld [smem:$0x3FD9]  }
0x89: {  	s3 =	sld [smem:$0x3FFE];
	_ =	sdelay $0x1  }
0x8a: {  	s1 =	srdreg.scid  }
0x8b: {  	s0 =	sand.u32 $0x1, s1  }
0x8c: {  	s18 =	sshll.u32 s0, $0xA;
	s2 =	sadd.s32 s3, s2  }
0x8d: {  	s2 =	sadd.s32 s2, s18  }
0x8e: {  	[smem:$0x3FC6] =	sst s2  }
0x8f: {  	_ = 	snop  }
0x90: {  	s2 =	sld [smem:$0x3FC9]  }
0x91: {  	s19 =	sld [smem:$0x3FC8]  }
0x92: {  	s4 =	sld [smem:$0x3FD0];
	(tm) =	ssettm $0x1  }
0x93: {  	s5 =	sld [smem:$0x3FFB];
	_ =	sdelay $0x3  }
0x94: {  	_ =	strace s5  }
0x95: {  	s5 =	sld [smem:$0x3FFC];
	_ =	sdelay $0x3  }
0x96: {  	_ =	strace s5  }
0x97: {  	s5 =	sld [smem:$0x3FFD];
	_ =	sdelay $0x3  }
0x98: {  	_ =	strace s5  }
0x99: {  	_ =	strace $0x8FFFFFFF  }
0x9a: {  	s20 =	sld [smem:$0x3FDB];
	_ =	sdelay $0x1  }
0x9b: {  	s6 =	simm.s32 $_scs_section_size  }
0x9c: {  	s7 =	simm.s32 $_size__tile_overlayer_lowered;
	s8 =	simm.s32 $_tile_overlayer_lowered  }
0x9d: {  	s23 =	simm.s32 $0x1BFF;
	s22 =	sshll.u32 s8, $0x1;
	s5 =	sadd.s32 s6, s20  }
0x9e: {  	s9 =	simm.s32 $0x0;
	s21 =	sshll.u32 s7, $0x1;
	s7 =	sadd.s32 s22, s5  }
0x9f: {  	[timem:s9], [sflag:s23] =	dma.local [hbm:s7], s21  }
0xa0: {  	_ =	swait.ge [sflag:s23], s21  }
0xa1: {  	s6 =	ssub.s32 $0x0, s21;
	[sflag:s23] =	ssyncset.done $0x0  }
0xa2: {  	[sflag:s23] =	ssyncadd.s32 s6;
	_ =	sdelay $0x1  }
0xa3: {  	s24 =	simm.s32 $0x1B8B  }
0xa4: {  	_ =	swait.ge [sflag:s24], $0x1  }
0xa5: {  	[sflag:s24] =	ssyncset.done $0x0  }
0xa6: {  	s25 =	simm.s32 $0x1B8E;
	[sflag:s24] =	ssyncadd.s32 $0xFFFFFFFF  }
0xa7: {  	s26 =	simm.s32 $execute0_lowered;
	[smem:$0x3FD2] =	sst s25  }
0xa8: {  	s6 =	sshll.u32 s26, $0x1;
	_ =	strace $0x80000046;
	[dreg:$0x1] =	wrdreg $0xFFFFFFFF  }
0xa9: {  	s28 =	simm.s32 $_size_execute0_lowered;
	s5 =	sadd.s32 s5, s6;
	[dreg:$0x0] =	wrdreg $0x0  }
0xaa: {  	s6 =	sshll.u32 s28, $0x1;
	[dreg:$0x2] =	wrdreg s5  }
0xab: {  	[dreg:$0x3] =	wrdreg s6  }
0xac: {  	[dreg:$0x4] =	wrdreg $0xC0  }
0xad: {  	_ =	task [dreg:s9], $0x5FFFF  }
0xae: {  	[dreg:$0x1] =	wrdreg $0xFFFFFFFF  }
0xaf: {  	[dreg:$0x0] =	wrdreg $0x60  }
0xb0: {  	[dreg:$0x2] =	wrdreg s2  }
0xb1: {  	[dreg:$0x3] =	wrdreg s19  }
0xb2: {  	[dreg:$0x4] =	wrdreg s4  }
0xb3: {  	[dreg:$0x5] =	wrdreg $0x9  }
0xb4: {  	_ =	task.clear_ibuf [dreg:s9], $0x6FFFF;
	_ =	strace $0x90000046  }
0xb5: {  	s29 =	simm.s32 $0x9;
	_ =	strace $0x80000048  }
0xb6: {  	_ =	swait.ge [sflag:s29], $0x1  }
0xb7: {  	[sflag:s29] =	ssyncadd.s32 $0xFFFFFFFF  }
0xb8: {  	_ =	strace $0x90000048  }
0xb9: {  	_ =	sfence  }
0xba: {  	s30 =	sld [smem:$0x0];
	_ =	sdelay $0x2  }
0xbb: {  	s31 =	sshll.u32 s1, $0xD;
	s1 =	sshrl.u32 s1, $0x2  }
0xbc: {  	s3 =	sand.u32 $0x4000, s31;
	s1 =	sadd.s32 s1, s30  }
0xbd: {  	s0 =	sor.u32 s3, s0;
	s1 =	sshll.u32 s1, $0x11  }
0xbe: {  	s0 =	sor.u32 s1, s0  }
0xbf: {  	s0 =	sadd.s32 $0x8F2B, s0  }
0xc0: {  	[sflag:s0] =	ssyncadd.remote.s32 $0x1  }
0xc1: {  	_ =	sfence.sel $0xFFFF  }
0xc2: {  	[dreg:$0x0] =	wrdreg $0xFFFFFFFF;
	(pc) =	sbr.abs _section_cstart, $3  }
0xc3: {  	[dreg:$0x1] =	wrdreg $0xFFFFFFFF  }
0xc4: {  	_ =	task.clear_ibuf [dreg:s9], $0x2FFFF;
	_ =	strace $0x9FFFFFFF  }
0xc5: {  	(tm) =	ssettm $0x7FFFFFFF  }
tec
execute0_lowered:
.L_overlay_start_1:
0x0: {  	(tag) =	ssettag $0x1  }
0x1: {  	s0 =	rddreg [dreg:$0x0]  }
0x2: {  	s1 =	rddreg [dreg:$0x1]  }
0x3: {  	s3 =	rddreg [dreg:$0x2];
	s2 =	simm.s32 $0x0  }
0x4: {  	s4 =	srdreg.scid;
	s9 =	stileid.u32;
	s11 =	simm.s32 $0x3  }
0x5: {  	s29 =	simm.s32 $0x9C00;
	s30 =	simm.s32 $0xA400;
	s31 =	simm.s32 $0xAC00  }
0x6: {  	s10 =	simm.s32 $0xD400;
	s12 =	simm.s32 $0xDC00;
	s13 =	simm.s32 $0xE400  }
0x7: {  	s14 =	simm.s32 $0xEC00;
	s15 =	simm.s32 $0xF400;
	s16 =	simm.s32 $0xFC00  }
0x8: {  	s17 =	simm.s32 $0x10400;
	s18 =	simm.s32 $0x10C00;
	s19 =	simm.s32 $0x11400  }
0x9: {  	s20 =	simm.s32 $0x1;
	s21 =	simm.s32 $0x2;
	s22 =	simm.s32 $0x0  }
0xa: {  	[smem:$0x7FF] =	sst s2;
	s5 =	sand.u32 $0x1, s4;
	s7 =	sshll.u32 s9, $0x8  }
0xb: {  	s25 =	sshll.u32 s9, $0xD;
	s9 =	simm.s32 $0xCC00;
	_ =	strace $0x80000047  }
.Ltmp0:
0xc: {  	s4 =	ssub.s32 $0x2, s5;
	s8 =	sshll.u32 s5, $0x7;
	(pc) =	sbr.rel .LBB2_1-.Ltmp0, $4  }
0xd: {  	s26 =	sadd.s32 s25, s3;
	s28 =	sshll.u32 s5, $0xC;
	s3 =	simm.s32 $0xBC00  }
0xe: {  	v2 =	vlaneseq.u32;
	s6 =	sshrl.u32 s4, $0x1;
	s24 =	sor.u32 s8, s7;
	s8 =	simm.s32 $0xC400  }
0xf: {  	vm0 =	vmmov $0xffff;
	v1 =	vshrl.u32 v2, $0x3;
	s6 =	ssub.s32 s4, s6;
	s4 =	sadd.s32 s0, s24;
	s24 =	sadd.s32 s28, s26  }
0x10: {  	v0 =	vand.u32 $0x7, v2;
	v2 =	vor.u32 $0x8, v2;
	v1 =	vmul.u32 $0x8, v1;
	s0 =	simm.s32 $0xB400;
	s5 =	sadd.s32 $0x6000, s4;
	s6 =	smax.u32 s6, $0x1  }
.LBB2_5:
0x11: {  	s22 =	sadd.s32 $0x1, s22  }
0x12: {  	p0 =	sne.s32 s22, s6  }
.Ltmp1:
0x13: {  	_ = 	snop;
	(pc) =	sbr.rel @!p0 .LBB2_6-.Ltmp1, $4  }
0x14: {  	_ = 	snop  }
0x15: {  	_ =	swait.ge [sflag:s21], $0x8000  }
0x16: {  	[sflag:s21] =	ssyncset.done $0x0  }
0x17: {  	[sflag:s21] =	ssyncadd.s32 $0xFFFF8000  }
.LBB2_1:
0x18: {  	s7 =	simm.s32 $0x400;
	s23 =	simm.s32 $0x8000  }
0x19: {  	[tilespmem:s2], [sflag:$0x3] =	stream.strided.gather [hbm4b:s4+s7], $0x1800, s23, s7, $0x38;
	[tilespmem:$0x19C00] =	vst v63  }
0x1a: {  	s28 =	simm.s32 $0x1800  }
0x1b: {  	[tilespmem:s28], [sflag:$0x3] =	stream.linear.gather [hbm4b:s5+s2], $0x100, $0x38;
	[tilespmem:$0x19C00] =	vst v63  }
0x1c: {  	_ =	swait.ge [sflag:s11], $0x1900  }
0x1d: {  	[sflag:s11] =	ssyncset.done $0x0  }
0x1e: {  	[sflag:s11] =	ssyncadd.s32 $0xFFFFE700  }
0x1f: {  	v3 =	vld [tilespmem:$0x0];
	_ =	sdelay $0x4  }
0x20: {  	v4 =	vshll.u32 v3, $0x1  }
0x21: {  	v3 =	vand.u32 $0x7, v3;
	v4 =	vand.u32 $0xFFFFFFF0, v4  }
0x22: {  	v3 =	vor.u32 v3, v4  }
0x23: {  	v4 =	vperm.xlane v3, v0;
	_ =	sdelay $0x1  }
0x24: {  	v3 =	vperm.xlane v3, v2;
	v4 =	vadd.s32 v1, v4;
	_ =	sdelay $0x1  }
0x25: {  	v3 =	vadd.s32 v1, v3;
	_ =	sdelay $0x1  }
0x26: {  	s23 =	simm.s32 $0x1C00  }
0x27: {  	[tilespmem:s23], [sflag:$0x1] =	stream.indirect_vreg.gather [hbm4b:s1+s2], $0x80, v4, vm0, $0xb8;
	[tilespmem:$0x19C00] =	vst v63  }
0x28: {  	s25 =	simm.s32 $0x2400  }
0x29: {  	[tilespmem:s25], [sflag:$0x1] =	stream.indirect_vreg.gather [hbm4b:s1+s2], $0x80, v3, vm0, $0xb8;
	[tilespmem:$0x19C00] =	vst v63  }
0x2a: {  	v3 =	vld [tilespmem:$0x10];
	_ =	sdelay $0x4  }
0x2b: {  	v49 =	vshll.u32 v3, $0x1  }
0x2c: {  	v3 =	vand.u32 $0x7, v3;
	v4 =	vand.u32 $0xFFFFFFF0, v49  }
0x2d: {  	v3 =	vor.u32 v3, v4  }
0x2e: {  	v4 =	vperm.xlane v3, v0;
	_ =	sdelay $0x1  }
0x2f: {  	v3 =	vperm.xlane v3, v2;
	v4 =	vadd.s32 v1, v4;
	_ =	sdelay $0x1  }
0x30: {  	v3 =	vadd.s32 v1, v3;
	_ =	sdelay $0x1  }
0x31: {  	s26 =	simm.s32 $0x2C00  }
0x32: {  	[tilespmem:s26], [sflag:$0x1] =	stream.indirect_vreg.gather [hbm4b:s1+s2], $0x80, v4, vm0, $0xb8;
	[tilespmem:$0x19C00] =	vst v63  }
0x33: {  	s28 =	simm.s32 $0x3400  }
0x34: {  	[tilespmem:s28], [sflag:$0x1] =	stream.indirect_vreg.gather [hbm4b:s1+s2], $0x80, v3, vm0, $0xb8;
	[tilespmem:$0x19C00] =	vst v63  }
0x35: {  	v3 =	vld [tilespmem:$0x20];
	_ =	sdelay $0x4  }
0x36: {  	v50 =	vshll.u32 v3, $0x1  }
0x37: {  	v3 =	vand.u32 $0x7, v3;
	v4 =	vand.u32 $0xFFFFFFF0, v50  }
0x38: {  	v3 =	vor.u32 v3, v4  }
0x39: {  	v4 =	vperm.xlane v3, v0;
	_ =	sdelay $0x1  }
0x3a: {  	v3 =	vperm.xlane v3, v2;
	v4 =	vadd.s32 v1, v4;
	_ =	sdelay $0x1  }
0x3b: {  	v3 =	vadd.s32 v1, v3;
	_ =	sdelay $0x1  }
0x3c: {  	s23 =	simm.s32 $0x3C00  }
0x3d: {  	[tilespmem:s23], [sflag:$0x1] =	stream.indirect_vreg.gather [hbm4b:s1+s2], $0x80, v4, vm0, $0xb8;
	[tilespmem:$0x19C00] =	vst v63  }
0x3e: {  	s25 =	simm.s32 $0x4400  }
0x3f: {  	[tilespmem:s25], [sflag:$0x1] =	stream.indirect_vreg.gather [hbm4b:s1+s2], $0x80, v3, vm0, $0xb8;
	[tilespmem:$0x19C00] =	vst v63  }
0x40: {  	v3 =	vld [tilespmem:$0x30];
	_ =	sdelay $0x4  }
0x41: {  	v51 =	vshll.u32 v3, $0x1  }
0x42: {  	v3 =	vand.u32 $0x7, v3;
	v4 =	vand.u32 $0xFFFFFFF0, v51  }
0x43: {  	v3 =	vor.u32 v3, v4  }
0x44: {  	v4 =	vperm.xlane v3, v0;
	_ =	sdelay $0x1  }
0x45: {  	v3 =	vperm.xlane v3, v2;
	v4 =	vadd.s32 v1, v4;
	_ =	sdelay $0x1  }
0x46: {  	v3 =	vadd.s32 v1, v3;
	_ =	sdelay $0x1  }
0x47: {  	s26 =	simm.s32 $0x4C00  }
0x48: {  	[tilespmem:s26], [sflag:$0x1] =	stream.indirect_vreg.gather [hbm4b:s1+s2], $0x80, v4, vm0, $0xb8;
	[tilespmem:$0x19C00] =	vst v63  }
0x49: {  	s28 =	simm.s32 $0x5400  }
0x4a: {  	[tilespmem:s28], [sflag:$0x1] =	stream.indirect_vreg.gather [hbm4b:s1+s2], $0x80, v3, vm0, $0xb8;
	[tilespmem:$0x19C00] =	vst v63  }
0x4b: {  	v3 =	vld [tilespmem:$0x40];
	_ =	sdelay $0x4  }
0x4c: {  	v52 =	vshll.u32 v3, $0x1  }
0x4d: {  	v3 =	vand.u32 $0x7, v3;
	v4 =	vand.u32 $0xFFFFFFF0, v52  }
0x4e: {  	v3 =	vor.u32 v3, v4  }
0x4f: {  	v4 =	vperm.xlane v3, v0;
	_ =	sdelay $0x1  }
0x50: {  	v3 =	vperm.xlane v3, v2;
	v4 =	vadd.s32 v1, v4;
	_ =	sdelay $0x1  }
0x51: {  	v3 =	vadd.s32 v1, v3;
	_ =	sdelay $0x1  }
0x52: {  	s23 =	simm.s32 $0x5C00  }
0x53: {  	[tilespmem:s23], [sflag:$0x1] =	stream.indirect_vreg.gather [hbm4b:s1+s2], $0x80, v4, vm0, $0xb8;
	[tilespmem:$0x19C00] =	vst v63  }
0x54: {  	s25 =	simm.s32 $0x6400  }
0x55: {  	[tilespmem:s25], [sflag:$0x1] =	stream.indirect_vreg.gather [hbm4b:s1+s2], $0x80, v3, vm0, $0xb8;
	[tilespmem:$0x19C00] =	vst v63  }
0x56: {  	v3 =	vld [tilespmem:$0x50];
	_ =	sdelay $0x4  }
0x57: {  	v53 =	vshll.u32 v3, $0x1  }
0x58: {  	v3 =	vand.u32 $0x7, v3;
	v4 =	vand.u32 $0xFFFFFFF0, v53  }
0x59: {  	v3 =	vor.u32 v3, v4  }
0x5a: {  	v4 =	vperm.xlane v3, v0;
	_ =	sdelay $0x1  }
0x5b: {  	v3 =	vperm.xlane v3, v2;
	v4 =	vadd.s32 v1, v4;
	_ =	sdelay $0x1  }
0x5c: {  	v3 =	vadd.s32 v1, v3;
	_ =	sdelay $0x1  }
0x5d: {  	s26 =	simm.s32 $0x6C00  }
0x5e: {  	[tilespmem:s26], [sflag:$0x1] =	stream.indirect_vreg.gather [hbm4b:s1+s2], $0x80, v4, vm0, $0xb8;
	[tilespmem:$0x19C00] =	vst v63  }
0x5f: {  	s28 =	simm.s32 $0x7400  }
0x60: {  	[tilespmem:s28], [sflag:$0x1] =	stream.indirect_vreg.gather [hbm4b:s1+s2], $0x80, v3, vm0, $0xb8;
	[tilespmem:$0x19C00] =	vst v63  }
0x61: {  	v3 =	vld [tilespmem:$0x60];
	_ =	sdelay $0x4  }
0x62: {  	v54 =	vshll.u32 v3, $0x1  }
0x63: {  	v3 =	vand.u32 $0x7, v3;
	v4 =	vand.u32 $0xFFFFFFF0, v54  }
0x64: {  	v3 =	vor.u32 v3, v4  }
0x65: {  	v4 =	vperm.xlane v3, v0;
	_ =	sdelay $0x1  }
0x66: {  	v3 =	vperm.xlane v3, v2;
	v4 =	vadd.s32 v1, v4;
	_ =	sdelay $0x1  }
0x67: {  	v3 =	vadd.s32 v1, v3;
	_ =	sdelay $0x1  }
0x68: {  	s23 =	simm.s32 $0x7C00  }
0x69: {  	[tilespmem:s23], [sflag:$0x1] =	stream.indirect_vreg.gather [hbm4b:s1+s2], $0x80, v4, vm0, $0xb8;
	[tilespmem:$0x19C00] =	vst v63  }
0x6a: {  	s25 =	simm.s32 $0x8400  }
0x6b: {  	[tilespmem:s25], [sflag:$0x1] =	stream.indirect_vreg.gather [hbm4b:s1+s2], $0x80, v3, vm0, $0xb8;
	[tilespmem:$0x19C00] =	vst v63  }
0x6c: {  	v3 =	vld [tilespmem:$0x70];
	_ =	sdelay $0x4  }
0x6d: {  	v55 =	vshll.u32 v3, $0x1  }
0x6e: {  	v3 =	vand.u32 $0x7, v3;
	v4 =	vand.u32 $0xFFFFFFF0, v55  }
0x6f: {  	v3 =	vor.u32 v3, v4  }
0x70: {  	v4 =	vperm.xlane v3, v0;
	_ =	sdelay $0x1  }
0x71: {  	v3 =	vperm.xlane v3, v2;
	v4 =	vadd.s32 v1, v4;
	_ =	sdelay $0x1  }
0x72: {  	v3 =	vadd.s32 v1, v3;
	_ =	sdelay $0x1  }
0x73: {  	s26 =	simm.s32 $0x8C00  }
0x74: {  	[tilespmem:s26], [sflag:$0x1] =	stream.indirect_vreg.gather [hbm4b:s1+s2], $0x80, v4, vm0, $0xb8;
	[tilespmem:$0x19C00] =	vst v63  }
0x75: {  	s28 =	simm.s32 $0x9400  }
0x76: {  	[tilespmem:s28], [sflag:$0x1] =	stream.indirect_vreg.gather [hbm4b:s1+s2], $0x80, v3, vm0, $0xb8;
	[tilespmem:$0x19C00] =	vst v63  }
0x77: {  	v3 =	vld [tilespmem:$0x80];
	_ =	sdelay $0x4  }
0x78: {  	v56 =	vshll.u32 v3, $0x1  }
0x79: {  	v3 =	vand.u32 $0x7, v3;
	v4 =	vand.u32 $0xFFFFFFF0, v56  }
0x7a: {  	v3 =	vor.u32 v3, v4  }
0x7b: {  	v4 =	vperm.xlane v3, v0;
	_ =	sdelay $0x1  }
0x7c: {  	v3 =	vperm.xlane v3, v2;
	v4 =	vadd.s32 v1, v4;
	_ =	sdelay $0x1  }
0x7d: {  	v3 =	vadd.s32 v1, v3;
	_ =	sdelay $0x2  }
0x7e: {  	[tilespmem:s29], [sflag:$0x1] =	stream.indirect_vreg.gather [hbm4b:s1+s2], $0x80, v4, vm0, $0xb8;
	[tilespmem:$0x19C00] =	vst v63  }
0x7f: {  	_ = 	snop  }
0x80: {  	[tilespmem:s30], [sflag:$0x1] =	stream.indirect_vreg.gather [hbm4b:s1+s2], $0x80, v3, vm0, $0xb8;
	[tilespmem:$0x19C00] =	vst v63  }
0x81: {  	v3 =	vld [tilespmem:$0x90];
	_ =	sdelay $0x4  }
0x82: {  	v57 =	vshll.u32 v3, $0x1  }
0x83: {  	v3 =	vand.u32 $0x7, v3;
	v4 =	vand.u32 $0xFFFFFFF0, v57  }
0x84: {  	v3 =	vor.u32 v3, v4  }
0x85: {  	v4 =	vperm.xlane v3, v0;
	_ =	sdelay $0x1  }
0x86: {  	v3 =	vperm.xlane v3, v2;
	v4 =	vadd.s32 v1, v4;
	_ =	sdelay $0x1  }
0x87: {  	v3 =	vadd.s32 v1, v3;
	_ =	sdelay $0x2  }
0x88: {  	[tilespmem:s31], [sflag:$0x1] =	stream.indirect_vreg.gather [hbm4b:s1+s2], $0x80, v4, vm0, $0xb8;
	[tilespmem:$0x19C00] =	vst v63  }
0x89: {  	_ = 	snop  }
0x8a: {  	[tilespmem:s0], [sflag:$0x1] =	stream.indirect_vreg.gather [hbm4b:s1+s2], $0x80, v3, vm0, $0xb8;
	[tilespmem:$0x19C00] =	vst v63  }
0x8b: {  	v3 =	vld [tilespmem:$0xA0];
	_ =	sdelay $0x4  }
0x8c: {  	v58 =	vshll.u32 v3, $0x1  }
0x8d: {  	v3 =	vand.u32 $0x7, v3;
	v4 =	vand.u32 $0xFFFFFFF0, v58  }
0x8e: {  	v3 =	vor.u32 v3, v4  }
0x8f: {  	v4 =	vperm.xlane v3, v0;
	_ =	sdelay $0x1  }
0x90: {  	v3 =	vperm.xlane v3, v2;
	v4 =	vadd.s32 v1, v4;
	_ =	sdelay $0x1  }
0x91: {  	v3 =	vadd.s32 v1, v3;
	_ =	sdelay $0x2  }
0x92: {  	[tilespmem:s3], [sflag:$0x1] =	stream.indirect_vreg.gather [hbm4b:s1+s2], $0x80, v4, vm0, $0xb8;
	[tilespmem:$0x19C00] =	vst v63  }
0x93: {  	_ = 	snop  }
0x94: {  	[tilespmem:s8], [sflag:$0x1] =	stream.indirect_vreg.gather [hbm4b:s1+s2], $0x80, v3, vm0, $0xb8;
	[tilespmem:$0x19C00] =	vst v63  }
0x95: {  	v3 =	vld [tilespmem:$0xB0];
	_ =	sdelay $0x4  }
0x96: {  	v59 =	vshll.u32 v3, $0x1  }
0x97: {  	v3 =	vand.u32 $0x7, v3;
	v4 =	vand.u32 $0xFFFFFFF0, v59  }
0x98: {  	v3 =	vor.u32 v3, v4  }
0x99: {  	v4 =	vperm.xlane v3, v0;
	_ =	sdelay $0x1  }
0x9a: {  	v3 =	vperm.xlane v3, v2;
	v4 =	vadd.s32 v1, v4;
	_ =	sdelay $0x1  }
0x9b: {  	v3 =	vadd.s32 v1, v3;
	_ =	sdelay $0x2  }
0x9c: {  	[tilespmem:s9], [sflag:$0x1] =	stream.indirect_vreg.gather [hbm4b:s1+s2], $0x80, v4, vm0, $0xb8;
	[tilespmem:$0x19C00] =	vst v63  }
0x9d: {  	_ = 	snop  }
0x9e: {  	[tilespmem:s10], [sflag:$0x1] =	stream.indirect_vreg.gather [hbm4b:s1+s2], $0x80, v3, vm0, $0xb8;
	[tilespmem:$0x19C00] =	vst v63  }
0x9f: {  	v3 =	vld [tilespmem:$0xC0];
	_ =	sdelay $0x4  }
0xa0: {  	v60 =	vshll.u32 v3, $0x1  }
0xa1: {  	v3 =	vand.u32 $0x7, v3;
	v4 =	vand.u32 $0xFFFFFFF0, v60  }
0xa2: {  	v3 =	vor.u32 v3, v4  }
0xa3: {  	v4 =	vperm.xlane v3, v0;
	_ =	sdelay $0x1  }
0xa4: {  	v3 =	vperm.xlane v3, v2;
	v4 =	vadd.s32 v1, v4;
	_ =	sdelay $0x1  }
0xa5: {  	v3 =	vadd.s32 v1, v3;
	_ =	sdelay $0x2  }
0xa6: {  	[tilespmem:s12], [sflag:$0x1] =	stream.indirect_vreg.gather [hbm4b:s1+s2], $0x80, v4, vm0, $0xb8;
	[tilespmem:$0x19C00] =	vst v63  }
0xa7: {  	_ = 	snop  }
0xa8: {  	[tilespmem:s13], [sflag:$0x1] =	stream.indirect_vreg.gather [hbm4b:s1+s2], $0x80, v3, vm0, $0xb8;
	[tilespmem:$0x19C00] =	vst v63  }
0xa9: {  	v3 =	vld [tilespmem:$0xD0];
	_ =	sdelay $0x4  }
0xaa: {  	v61 =	vshll.u32 v3, $0x1  }
0xab: {  	v3 =	vand.u32 $0x7, v3;
	v4 =	vand.u32 $0xFFFFFFF0, v61  }
0xac: {  	v3 =	vor.u32 v3, v4  }
0xad: {  	v4 =	vperm.xlane v3, v0;
	_ =	sdelay $0x1  }
0xae: {  	v3 =	vperm.xlane v3, v2;
	v4 =	vadd.s32 v1, v4;
	_ =	sdelay $0x1  }
0xaf: {  	v3 =	vadd.s32 v1, v3;
	_ =	sdelay $0x2  }
0xb0: {  	[tilespmem:s14], [sflag:$0x1] =	stream.indirect_vreg.gather [hbm4b:s1+s2], $0x80, v4, vm0, $0xb8;
	[tilespmem:$0x19C00] =	vst v63  }
0xb1: {  	_ = 	snop  }
0xb2: {  	[tilespmem:s15], [sflag:$0x1] =	stream.indirect_vreg.gather [hbm4b:s1+s2], $0x80, v3, vm0, $0xb8;
	[tilespmem:$0x19C00] =	vst v63  }
0xb3: {  	v3 =	vld [tilespmem:$0xE0];
	_ =	sdelay $0x4  }
0xb4: {  	v62 =	vshll.u32 v3, $0x1  }
0xb5: {  	v3 =	vand.u32 $0x7, v3;
	v4 =	vand.u32 $0xFFFFFFF0, v62  }
0xb6: {  	v3 =	vor.u32 v3, v4  }
0xb7: {  	v4 =	vperm.xlane v3, v0;
	_ =	sdelay $0x1  }
0xb8: {  	v3 =	vperm.xlane v3, v2;
	v4 =	vadd.s32 v1, v4;
	_ =	sdelay $0x1  }
0xb9: {  	v3 =	vadd.s32 v1, v3;
	_ =	sdelay $0x2  }
0xba: {  	[tilespmem:s16], [sflag:$0x1] =	stream.indirect_vreg.gather [hbm4b:s1+s2], $0x80, v4, vm0, $0xb8;
	[tilespmem:$0x19C00] =	vst v63  }
0xbb: {  	_ = 	snop  }
0xbc: {  	[tilespmem:s17], [sflag:$0x1] =	stream.indirect_vreg.gather [hbm4b:s1+s2], $0x80, v3, vm0, $0xb8;
	[tilespmem:$0x19C00] =	vst v63  }
0xbd: {  	v3 =	vld [tilespmem:$0xF0];
	_ =	sdelay $0x4  }
0xbe: {  	v63 =	vshll.u32 v3, $0x1  }
0xbf: {  	v3 =	vand.u32 $0x7, v3;
	v4 =	vand.u32 $0xFFFFFFF0, v63  }
0xc0: {  	v3 =	vor.u32 v3, v4  }
0xc1: {  	v4 =	vperm.xlane v3, v0;
	_ =	sdelay $0x1  }
0xc2: {  	v3 =	vperm.xlane v3, v2;
	v4 =	vadd.s32 v1, v4;
	_ =	sdelay $0x1  }
0xc3: {  	v3 =	vadd.s32 v1, v3  }
.Ltmp2:
0xc4: {  	_ = 	snop;
	(pc) =	sbr.rel .LBB2_2-.Ltmp2, $4  }
0xc5: {  	_ = 	snop  }
0xc6: {  	[tilespmem:s18], [sflag:$0x1] =	stream.indirect_vreg.gather [hbm4b:s1+s2], $0x80, v4, vm0, $0xb8;
	[tilespmem:$0x19C00] =	vst v63  }
0xc7: {  	s7 =	smov.u32 s24;
	s23 =	simm.s32 $0x170;
	s25 =	simm.s32 $0x0  }
0xc8: {  	[tilespmem:s19], [sflag:$0x1] =	stream.indirect_vreg.gather [hbm4b:s1+s2], $0x80, v3, vm0, $0xb8;
	[tilespmem:$0x19C00] =	vst v63  }
.LBB2_4:
0xc9: {  	s26 =	smul.u32 $0xAB, s25;
	_ =	sdelay $0x1  }
0xca: {  	s26 =	sshrl.u32 s26, $0x9  }
0xcb: {  	s26 =	sand.u32 $0x7F, s26  }
0xcc: {  	s26 =	smul.u32 $0x3, s26;
	_ =	sdelay $0x1  }
0xcd: {  	s26 =	ssub.s32 s25, s26;
	s25 =	sadd.s32 $0x1, s25  }
0xce: {  	p0 =	sne.s32 s25, $0x32  }
.Ltmp3:
0xcf: {  	s26 =	sand.u32 $0xFF, s26;
	(pc) =	sbr.rel @!p0 .LBB2_5-.Ltmp3, $4  }
0xd0: {  	s26 =	sshll.u32 s26, $0xF  }
0xd1: {  	s26 =	sor.u32 $0x1C00, s26  }
0xd2: {  	[hbm4b:s7+s2] =	stream.linear.scatter [tilespmem:s26], [sflag:$0x2], $0x8000, $0x38;
	[tilespmem:$0x19C00] =	vst v63  }
0xd3: {  	s23 =	sadd.s32 $0x80, s23;
	s7 =	sadd.s32 $0x20000, s7  }
.LBB2_2:
0xd4: {  	p0 =	seq.s32 s25, $0x0  }
0xd5: {  	p1 =	sgt.u32 @!p0 s25, $0x2F  }
0xd6: {  	_ =	swait.ge [sflag:s20], $0x8000;
	p1 =	por p0, !p1  }
.Ltmp4:
0xd7: {  	[sflag:s20] =	ssyncset.done $0x0;
	(pc) =	sbr.rel @!p1 .LBB2_4-.Ltmp4, $4  }
0xd8: {  	s26 =	simm.s32 @!p0 $0x2;
	[sflag:s20] =	ssyncadd.s32 $0xFFFF8000  }
0xd9: {  	_ =	swait.ge @!p0 [sflag:s26], $0x8000  }
0xda: {  	[sflag:s26] =	ssyncset.done @!p0 $0x0  }
0xdb: {  	[sflag:s26] =	ssyncadd.s32 @!p0 $0xFFFF8000  }
0xdc: {  	v3 =	vld [tilespmem:s23+$0xFFFFFF90];
	_ =	sdelay $0x3  }
0xdd: {  	s26 =	sadd.s32 $0x2, s25  }
0xde: {  	s28 =	smul.u32 $0xAB, s26;
	v4 =	vshll.u32 v3, $0x1  }
0xdf: {  	v3 =	vand.u32 $0x7, v3;
	v4 =	vand.u32 $0xFFFFFFF0, v4  }
0xe0: {  	s28 =	sshrl.u32 s28, $0x9;
	v3 =	vor.u32 v3, v4  }
0xe1: {  	s28 =	sand.u32 $0x7F, s28;
	v4 =	vperm.xlane v3, v0  }
0xe2: {  	s28 =	smul.u32 $0x3, s28  }
0xe3: {  	v3 =	vperm.xlane v3, v2;
	v4 =	vadd.s32 v1, v4  }
0xe4: {  	s26 =	ssub.s32 s26, s28  }
0xe5: {  	s26 =	sand.u32 $0xFF, s26;
	v3 =	vadd.s32 v1, v3  }
0xe6: {  	s26 =	sshll.u32 s26, $0xF  }
0xe7: {  	s28 =	sor.u32 $0x1C00, s26  }
0xe8: {  	[tilespmem:s28], [sflag:$0x1] =	stream.indirect_vreg.gather [hbm4b:s1+s2], $0x80, v4, vm0, $0xb8;
	[tilespmem:$0x19C00] =	vst v63  }
0xe9: {  	s28 =	sor.u32 $0x2400, s26  }
0xea: {  	[tilespmem:s28], [sflag:$0x1] =	stream.indirect_vreg.gather [hbm4b:s1+s2], $0x80, v3, vm0, $0xb8;
	[tilespmem:$0x19C00] =	vst v63  }
0xeb: {  	v3 =	vld [tilespmem:s23+$0xFFFFFFA0];
	_ =	sdelay $0x4  }
0xec: {  	v57 =	vshll.u32 v3, $0x1  }
0xed: {  	v3 =	vand.u32 $0x7, v3;
	v4 =	vand.u32 $0xFFFFFFF0, v57  }
0xee: {  	v3 =	vor.u32 v3, v4  }
0xef: {  	v4 =	vperm.xlane v3, v0;
	_ =	sdelay $0x1  }
0xf0: {  	v3 =	vperm.xlane v3, v2;
	v4 =	vadd.s32 v1, v4;
	_ =	sdelay $0x1  }
0xf1: {  	v3 =	vadd.s32 v1, v3;
	_ =	sdelay $0x1  }
0xf2: {  	s28 =	sor.u32 $0x2C00, s26  }
0xf3: {  	[tilespmem:s28], [sflag:$0x1] =	stream.indirect_vreg.gather [hbm4b:s1+s2], $0x80, v4, vm0, $0xb8;
	[tilespmem:$0x19C00] =	vst v63  }
0xf4: {  	s28 =	sor.u32 $0x3400, s26  }
0xf5: {  	[tilespmem:s28], [sflag:$0x1] =	stream.indirect_vreg.gather [hbm4b:s1+s2], $0x80, v3, vm0, $0xb8;
	[tilespmem:$0x19C00] =	vst v63  }
0xf6: {  	v3 =	vld [tilespmem:s23+$0xFFFFFFB0];
	_ =	sdelay $0x4  }
0xf7: {  	v58 =	vshll.u32 v3, $0x1  }
0xf8: {  	v3 =	vand.u32 $0x7, v3;
	v4 =	vand.u32 $0xFFFFFFF0, v58  }
0xf9: {  	v3 =	vor.u32 v3, v4  }
0xfa: {  	v4 =	vperm.xlane v3, v0;
	_ =	sdelay $0x1  }
0xfb: {  	v3 =	vperm.xlane v3, v2;
	v4 =	vadd.s32 v1, v4;
	_ =	sdelay $0x1  }
0xfc: {  	v3 =	vadd.s32 v1, v3;
	_ =	sdelay $0x1  }
0xfd: {  	s28 =	sor.u32 $0x3C00, s26  }
0xfe: {  	[tilespmem:s28], [sflag:$0x1] =	stream.indirect_vreg.gather [hbm4b:s1+s2], $0x80, v4, vm0, $0xb8;
	[tilespmem:$0x19C00] =	vst v63  }
0xff: {  	s28 =	sor.u32 $0x4400, s26  }
0x100: {  	[tilespmem:s28], [sflag:$0x1] =	stream.indirect_vreg.gather [hbm4b:s1+s2], $0x80, v3, vm0, $0xb8;
	[tilespmem:$0x19C00] =	vst v63  }
0x101: {  	v3 =	vld [tilespmem:s23+$0xFFFFFFC0];
	_ =	sdelay $0x4  }
0x102: {  	v59 =	vshll.u32 v3, $0x1  }
0x103: {  	v3 =	vand.u32 $0x7, v3;
	v4 =	vand.u32 $0xFFFFFFF0, v59  }
0x104: {  	v3 =	vor.u32 v3, v4  }
0x105: {  	v4 =	vperm.xlane v3, v0;
	_ =	sdelay $0x1  }
0x106: {  	v3 =	vperm.xlane v3, v2;
	v4 =	vadd.s32 v1, v4;
	_ =	sdelay $0x1  }
0x107: {  	v3 =	vadd.s32 v1, v3;
	_ =	sdelay $0x1  }
0x108: {  	s28 =	sor.u32 $0x4C00, s26  }
0x109: {  	[tilespmem:s28], [sflag:$0x1] =	stream.indirect_vreg.gather [hbm4b:s1+s2], $0x80, v4, vm0, $0xb8;
	[tilespmem:$0x19C00] =	vst v63  }
0x10a: {  	s28 =	sor.u32 $0x5400, s26  }
0x10b: {  	[tilespmem:s28], [sflag:$0x1] =	stream.indirect_vreg.gather [hbm4b:s1+s2], $0x80, v3, vm0, $0xb8;
	[tilespmem:$0x19C00] =	vst v63  }
0x10c: {  	v3 =	vld [tilespmem:s23+$0xFFFFFFD0];
	_ =	sdelay $0x4  }
0x10d: {  	v60 =	vshll.u32 v3, $0x1  }
0x10e: {  	v3 =	vand.u32 $0x7, v3;
	v4 =	vand.u32 $0xFFFFFFF0, v60  }
0x10f: {  	v3 =	vor.u32 v3, v4  }
0x110: {  	v4 =	vperm.xlane v3, v0;
	_ =	sdelay $0x1  }
0x111: {  	v3 =	vperm.xlane v3, v2;
	v4 =	vadd.s32 v1, v4;
	_ =	sdelay $0x1  }
0x112: {  	v3 =	vadd.s32 v1, v3;
	_ =	sdelay $0x1  }
0x113: {  	s28 =	sor.u32 $0x5C00, s26  }
0x114: {  	[tilespmem:s28], [sflag:$0x1] =	stream.indirect_vreg.gather [hbm4b:s1+s2], $0x80, v4, vm0, $0xb8;
	[tilespmem:$0x19C00] =	vst v63  }
0x115: {  	s28 =	sor.u32 $0x6400, s26  }
0x116: {  	[tilespmem:s28], [sflag:$0x1] =	stream.indirect_vreg.gather [hbm4b:s1+s2], $0x80, v3, vm0, $0xb8;
	[tilespmem:$0x19C00] =	vst v63  }
0x117: {  	v3 =	vld [tilespmem:s23+$0xFFFFFFE0];
	_ =	sdelay $0x4  }
0x118: {  	v61 =	vshll.u32 v3, $0x1  }
0x119: {  	v3 =	vand.u32 $0x7, v3;
	v4 =	vand.u32 $0xFFFFFFF0, v61  }
0x11a: {  	v3 =	vor.u32 v3, v4  }
0x11b: {  	v4 =	vperm.xlane v3, v0;
	_ =	sdelay $0x1  }
0x11c: {  	v3 =	vperm.xlane v3, v2;
	v4 =	vadd.s32 v1, v4;
	_ =	sdelay $0x1  }
0x11d: {  	v3 =	vadd.s32 v1, v3;
	_ =	sdelay $0x1  }
0x11e: {  	s28 =	sor.u32 $0x6C00, s26  }
0x11f: {  	[tilespmem:s28], [sflag:$0x1] =	stream.indirect_vreg.gather [hbm4b:s1+s2], $0x80, v4, vm0, $0xb8;
	[tilespmem:$0x19C00] =	vst v63  }
0x120: {  	s28 =	sor.u32 $0x7400, s26  }
0x121: {  	[tilespmem:s28], [sflag:$0x1] =	stream.indirect_vreg.gather [hbm4b:s1+s2], $0x80, v3, vm0, $0xb8;
	[tilespmem:$0x19C00] =	vst v63  }
0x122: {  	v3 =	vld [tilespmem:s23+$0xFFFFFFF0];
	_ =	sdelay $0x4  }
0x123: {  	v62 =	vshll.u32 v3, $0x1  }
0x124: {  	v3 =	vand.u32 $0x7, v3;
	v4 =	vand.u32 $0xFFFFFFF0, v62  }
0x125: {  	v3 =	vor.u32 v3, v4  }
0x126: {  	v4 =	vperm.xlane v3, v0;
	_ =	sdelay $0x1  }
0x127: {  	v3 =	vperm.xlane v3, v2;
	v4 =	vadd.s32 v1, v4;
	_ =	sdelay $0x1  }
0x128: {  	v3 =	vadd.s32 v1, v3;
	_ =	sdelay $0x1  }
0x129: {  	s28 =	sor.u32 $0x7C00, s26  }
0x12a: {  	[tilespmem:s28], [sflag:$0x1] =	stream.indirect_vreg.gather [hbm4b:s1+s2], $0x80, v4, vm0, $0xb8;
	[tilespmem:$0x19C00] =	vst v63  }
0x12b: {  	s28 =	sadd.s32 $0x8400, s26  }
0x12c: {  	[tilespmem:s28], [sflag:$0x1] =	stream.indirect_vreg.gather [hbm4b:s1+s2], $0x80, v3, vm0, $0xb8;
	[tilespmem:$0x19C00] =	vst v63  }
0x12d: {  	v3 =	vld [tilespmem:s23+$0x0];
	_ =	sdelay $0x4  }
0x12e: {  	v63 =	vshll.u32 v3, $0x1  }
0x12f: {  	v3 =	vand.u32 $0x7, v3;
	v4 =	vand.u32 $0xFFFFFFF0, v63  }
0x130: {  	v3 =	vor.u32 v3, v4  }
0x131: {  	v4 =	vperm.xlane v3, v0;
	_ =	sdelay $0x1  }
0x132: {  	v3 =	vperm.xlane v3, v2;
	v4 =	vadd.s32 v1, v4;
	_ =	sdelay $0x1  }
0x133: {  	v3 =	vadd.s32 v1, v3  }
.Ltmp5:
0x134: {  	_ = 	snop;
	(pc) =	sbr.rel .LBB2_4-.Ltmp5, $4  }
0x135: {  	s28 =	sadd.s32 $0x8C00, s26  }
0x136: {  	[tilespmem:s28], [sflag:$0x1] =	stream.indirect_vreg.gather [hbm4b:s1+s2], $0x80, v4, vm0, $0xb8;
	[tilespmem:$0x19C00] =	vst v63  }
0x137: {  	s26 =	sadd.s32 $0x9400, s26  }
0x138: {  	[tilespmem:s26], [sflag:$0x1] =	stream.indirect_vreg.gather [hbm4b:s1+s2], $0x80, v3, vm0, $0xb8;
	[tilespmem:$0x19C00] =	vst v63  }
.LBB2_6:
0x139: {  	_ =	sfence.sel $0x180000  }
0x13a: {  	[bflag:$0x0] =	sbarrier.arrive $0xFFFF  }
0x13b: {  	_ =	strace $0x90000047  }
0x13c: {  	s0 =	stileid.u32;
	[bflag:$0x2] =	sbarrier.arrive $0xFFFF  }
0x13d: {  	p0 =	sne.s32 s0, $0x0;
	s0 =	rddreg [dreg:$0x3]  }
0x13e: {  	s0 =	sadd.s32 @!p0 $0x100000, s0  }
0x13f: {  	[sflag:s0] =	ssyncadd.tile.s32 @!p0 $0x1;
	_ =	shalt  }
.Lfunc_end2:
_tile_overlayer_lowered:
.L_overlay_start_2:
0x140: {  	(tag) =	ssettag $0x2  }
0x141: {  	s0 =	rddreg [dreg:$0x0];
	s2 =	stileid.u32  }
0x142: {  	s1 =	rddreg [dreg:$0x1];
	p0 =	sne.s32 s2, $0x0  }
0x143: {  	s3 =	rddreg [dreg:$0x2];
	[bflag:$0x3] =	sbarrier.arrive $0xFFFF;
	s2 =	simm.s32 @!p0 $0x1C03  }
0x144: {  	[timem:s3], [sflag:s2] =	dma.local @!p0 [hbm:s0], s1  }
0x145: {  	s0 =	simm.s32 @!p0 $0x3  }
0x146: {  	_ =	swait.ge @!p0 [sflag:s0], s1  }
0x147: {  	s1 =	ssub.s32 @!p0 $0x0, s1;
	[sflag:s0] =	ssyncset.done @!p0 $0x0  }
0x148: {  	[sflag:s0] =	ssyncadd.s32 @!p0 s1  }
0x149: {  	[bflag:$0x3] =	sbarrier.arrive $0xFFFF  }
0x14a: {  	_ =	shalt  }

</sc_bundles>
